<compile_context>
chip_gen: v7x
topology: tpu7x:2x2x1
jax: 0.10.2.dev20260603
libtpu: 0.0.44.dev20260713+nightly
codegen_flags: <defaults>
</compile_context>

<pallas_src>
import jax
import jax.numpy as jnp
import numpy as np
from jax.experimental import pallas as pl

_B, _C, _T, _N = 16, 128, 256, 22
_H = 8
_HD = _C // _H
_QKV = 2 * _C + _H
_TN = _T * _N
_EPS = 1e-5
_PAD = 128


def _fused_body(x_ref, wq_ref, bq_ref, w9_ref, bias_ref, s_ref, st_ref,
                r_ref, mm1_ref, mp1_ref, o_ref):
    xb = x_ref[0]
    qkv = jnp.dot(wq_ref[...], xb, preferred_element_type=jnp.float32)
    qkv = qkv + bq_ref[...]

    i = qkv[0:_H]
    k = qkv[_H:_H + _C]
    v = qkv[_H + _C:_QKV]

    e = jnp.exp(i)
    ssum = jnp.dot(e, s_ref[...], preferred_element_type=jnp.float32)
    rrep = jnp.dot(1.0 / ssum, st_ref[...],
                   preferred_element_type=jnp.float32)
    sc = e * rrep
    sc_rep = jnp.dot(r_ref[...], sc,
                     preferred_element_type=jnp.float32)
    ks = k * sc_rep
    attn = jnp.dot(ks, s_ref[...], preferred_element_type=jnp.float32)
    attn_rep = jnp.dot(attn, st_ref[...],
                       preferred_element_type=jnp.float32)
    pre = jnp.maximum(v, 0.0) * attn_rep

    z = jnp.zeros((_C, _PAD), jnp.float32)
    pp = jnp.concatenate([z, pre, z], axis=1)
    qm1 = pp[:, _PAD - 1:_PAD - 1 + _TN] * mm1_ref[...]
    qp1 = pp[:, _PAD + 1:_PAD + 1 + _TN] * mp1_ref[...]

    def row(dt):
        return (jnp.dot(w9_ref[3 * dt + 0], qm1, preferred_element_type=jnp.float32)
                + jnp.dot(w9_ref[3 * dt + 1], pre, preferred_element_type=jnp.float32)
                + jnp.dot(w9_ref[3 * dt + 2], qp1, preferred_element_type=jnp.float32))

    a0 = row(0)
    a1 = row(1)
    a2 = row(2)
    c0 = jnp.concatenate([z, a0], axis=1)[:, _PAD - _N:_PAD - _N + _TN]
    c2 = jnp.concatenate([a2, z], axis=1)[:, _N:_N + _TN]
    out = a1 + c0 + c2 + bias_ref[...]
    o_ref[0] = jnp.maximum(out, 0.0)


def kernel(x, Wqkv, bqkv, Wout, bconv, gamma, beta, running_mean, running_var):
    f32 = jnp.float32

    base = np.arange(_H) * (1 + 2 * _HD)
    perm = np.concatenate([
        base,
        (base[:, None] + 1 + np.arange(_HD)[None, :]).reshape(-1),
        (base[:, None] + 1 + _HD + np.arange(_HD)[None, :]).reshape(-1),
    ])
    wq = Wqkv[perm]
    bq = bqkv[perm].reshape(_QKV, 1)

    scale = gamma / jnp.sqrt(running_var + _EPS)
    w9 = jnp.transpose(Wout * scale[:, None, None, None], (2, 3, 0, 1))
    w9 = w9.reshape(9, _C, _C)
    bias = ((bconv - running_mean) * scale + beta).reshape(_C, 1)

    seg = np.arange(_TN, dtype=np.int32) // _N
    s_mat = jnp.asarray((seg[:, None] == np.arange(_T)[None, :]).astype(np.float32))
    st_mat = s_mat.T
    r_mat = jnp.asarray(
        ((np.arange(_C)[:, None] // _HD) == np.arange(_H)[None, :]).astype(np.float32))
    n_in_seg = np.arange(_TN, dtype=np.int32) % _N
    mm1 = jnp.asarray((n_in_seg != 0).astype(np.float32).reshape(1, _TN))
    mp1 = jnp.asarray((n_in_seg != _N - 1).astype(np.float32).reshape(1, _TN))

    xf = x.reshape(_B, _C, _TN)

    const = lambda *_: (0, 0)
    out = pl.pallas_call(
        _fused_body,
        grid=(_B,),
        in_specs=[
            pl.BlockSpec((1, _C, _TN), lambda b: (b, 0, 0)),
            pl.BlockSpec((_QKV, _C), const),
            pl.BlockSpec((_QKV, 1), const),
            pl.BlockSpec((9, _C, _C), lambda b: (0, 0, 0)),
            pl.BlockSpec((_C, 1), const),
            pl.BlockSpec((_TN, _T), const),
            pl.BlockSpec((_T, _TN), const),
            pl.BlockSpec((_C, _H), const),
            pl.BlockSpec((1, _TN), const),
            pl.BlockSpec((1, _TN), const),
        ],
        out_specs=pl.BlockSpec((1, _C, _TN), lambda b: (b, 0, 0)),
        out_shape=jax.ShapeDtypeStruct((_B, _C, _TN), f32),
    )(xf, wq, bq, w9, bias, s_mat, st_mat, r_mat, mm1, mp1)

    return out.reshape(_B, _C, _T, _N)

# --- scband reference (transcript-rebuilt; emitter-appended) ---
"""Pipeline reference for scband-gcncovm-bmabc-15607911154118 (READ-ONLY COPY).

The authoritative reference and input builder live on the scoring server;
editing this copy changes nothing except your own understanding.
"""

import jax, jax.numpy as jnp
import numpy as np

B, C, T, N = 16, 128, 256, 22
H = 8
HD = C // H
QKV_OUT = 2 * C + H
EPS = 1e-5


def setup_inputs(seed: int = 0) -> dict:
    key = jax.random.key(seed)
    ks = jax.random.split(key, 4)
    x = jax.random.normal(ks[0], (B, C, T, N), dtype=jnp.float32)
    Wqkv = jax.random.normal(ks[1], (QKV_OUT, C), dtype=jnp.float32) * (1.0 / np.sqrt(C))
    bqkv = jnp.zeros((QKV_OUT,), jnp.float32)
    Wout = jax.random.normal(ks[2], (C, C, 3, 3), dtype=jnp.float32) * (1.0 / np.sqrt(9 * C))
    bconv = jnp.zeros((C,), jnp.float32)
    gamma = jnp.ones((C,), jnp.float32)
    beta = jnp.zeros((C,), jnp.float32)
    running_mean = jnp.zeros((C,), jnp.float32)
    running_var = jnp.ones((C,), jnp.float32)
    return {"x": x, "Wqkv": Wqkv, "bqkv": bqkv, "Wout": Wout, "bconv": bconv,
            "gamma": gamma, "beta": beta, "running_mean": running_mean, "running_var": running_var}


def reference(x, Wqkv, bqkv, Wout, bconv, gamma, beta, running_mean, running_var):
    # to_qkv: 1x1 Conv2d == channel-mixing matmul
    qkv = jnp.einsum('bctn,oc->botn', x, Wqkv) + bqkv[None, :, None, None]
    qkv = qkv.reshape(B, H, -1, T, N)  # per-head channels = 1 + HD + HD
    i = qkv[:, :, 0:1, :, :]
    k = qkv[:, :, 1:1 + HD, :, :]
    v = qkv[:, :, 1 + HD:1 + 2 * HD, :, :]
    scores = jax.nn.softmax(i, axis=-1)
    attn_vector = jnp.sum(k * scores, axis=-1, keepdims=True)  # (B,H,HD,T,1)
    out = (jax.nn.relu(v) * attn_vector).reshape(B, C, T, N)
    # to_out: 3x3 Conv2d + BatchNorm2d (eval mode, running stats) + ReLU
    out = jax.lax.conv_general_dilated(out, Wout, window_strides=(1, 1), padding='SAME',
                                       dimension_numbers=('NCHW', 'OIHW', 'NCHW'))
    out = out + bconv[None, :, None, None]
    out = (out - running_mean[None, :, None, None]) / jnp.sqrt(running_var[None, :, None, None] + EPS)
    out = out * gamma[None, :, None, None] + beta[None, :, None, None]
    return jax.nn.relu(out)

if __name__ == "__main__":
    import jax
    _d = setup_inputs()
    print(jax.jit(kernel)(*tuple(_d.values())))

</pallas_src>

<mosaic_0001>
module attributes {stable_mosaic.version = 14 : i64} {
  func.func @_fused_body(%arg0: i32, %arg1: memref<1x128x5632xf32, #tpu.memory_space<vmem>>, %arg2: memref<264x128xf32, #tpu.memory_space<vmem>>, %arg3: memref<264x1xf32, #tpu.memory_space<vmem>>, %arg4: memref<9x128x128xf32, #tpu.memory_space<vmem>>, %arg5: memref<128x1xf32, #tpu.memory_space<vmem>>, %arg6: memref<5632x256xf32, #tpu.memory_space<vmem>>, %arg7: memref<256x5632xf32, #tpu.memory_space<vmem>>, %arg8: memref<128x8xf32, #tpu.memory_space<vmem>>, %arg9: memref<1x5632xf32, #tpu.memory_space<vmem>>, %arg10: memref<1x5632xf32, #tpu.memory_space<vmem>>, %arg11: memref<1x128x5632xf32, #tpu.memory_space<vmem>>) attributes {dimension_semantics = [#tpu.dimension_semantics<arbitrary>], iteration_bounds = array<i64: 16>, scalar_prefetch = 0 : i64, scratch_operands = 0 : i64, tpu.core_type = #tpu.core_type<tc>, window_params = [{transform_indices = @transform_0, window_bounds = array<i64: 1, 128, 5632>}, {pipeline_mode = #tpu.pipeline_mode<synchronous>, transform_indices = @transform_1, window_bounds = array<i64: 264, 128>}, {pipeline_mode = #tpu.pipeline_mode<synchronous>, transform_indices = @transform_2, window_bounds = array<i64: 264, 1>}, {pipeline_mode = #tpu.pipeline_mode<synchronous>, transform_indices = @transform_3, window_bounds = array<i64: 9, 128, 128>}, {pipeline_mode = #tpu.pipeline_mode<synchronous>, transform_indices = @transform_4, window_bounds = array<i64: 128, 1>}, {pipeline_mode = #tpu.pipeline_mode<synchronous>, transform_indices = @transform_5, window_bounds = array<i64: 5632, 256>}, {pipeline_mode = #tpu.pipeline_mode<synchronous>, transform_indices = @transform_6, window_bounds = array<i64: 256, 5632>}, {pipeline_mode = #tpu.pipeline_mode<synchronous>, transform_indices = @transform_7, window_bounds = array<i64: 128, 8>}, {pipeline_mode = #tpu.pipeline_mode<synchronous>, transform_indices = @transform_8, window_bounds = array<i64: 1, 5632>}, {pipeline_mode = #tpu.pipeline_mode<synchronous>, transform_indices = @transform_9, window_bounds = array<i64: 1, 5632>}, {transform_indices = @transform_10, window_bounds = array<i64: 1, 128, 5632>}]} {
    %get3A = arith.constant 0 : index
    %get3A_0 = arith.constant 0 : index
    %get3A_1 = arith.constant 0 : index
    %get3A_2 = vector.load %arg1[%get3A, %get3A_0, %get3A_1] : memref<1x128x5632xf32, #tpu.memory_space<vmem>>, vector<1x128x5632xf32>
    %get3A_3 = vector.shape_cast %get3A_2 : vector<1x128x5632xf32> to vector<128x5632xf32>
    %get3A_4 = arith.constant 0 : index
    %get3A_5 = arith.constant 0 : index
    %get3A_6 = vector.load %arg2[%get3A_4, %get3A_5] : memref<264x128xf32, #tpu.memory_space<vmem>>, vector<264x128xf32>
    %dot_general3A = arith.constant dense<0.000000e+00> : vector<264x5632xf32>
    %dot_general3A_7 = tpu.matmul %get3A_6, %get3A_3, %dot_general3A {dimension_numbers = #tpu.dot_dimension_numbers<[1], [0], [0], [1], [0, 0, 1, 1], [], []>, transpose_lhs_hint = false} : vector<264x128xf32>, vector<128x5632xf32>, vector<264x5632xf32> -> vector<264x5632xf32>
    %get3A_8 = arith.constant 0 : index
    %get3A_9 = arith.constant 0 : index
    %get3A_10 = vector.load %arg3[%get3A_8, %get3A_9] : memref<264x1xf32, #tpu.memory_space<vmem>>, vector<264x1xf32>
    %add3A = vector.broadcast %get3A_10 : vector<264x1xf32> to vector<264x5632xf32>
    %add3A_11 = arith.addf %dot_general3A_7, %add3A : vector<264x5632xf32>
    %slice3A = vector.extract_strided_slice %add3A_11 {offsets = [0, 0], sizes = [8, 5632], strides = [1, 1]} : vector<264x5632xf32> to vector<8x5632xf32>
    %slice3A_12 = vector.extract_strided_slice %add3A_11 {offsets = [8, 0], sizes = [128, 5632], strides = [1, 1]} : vector<264x5632xf32> to vector<128x5632xf32>
    %slice3A_13 = vector.extract_strided_slice %add3A_11 {offsets = [136, 0], sizes = [128, 5632], strides = [1, 1]} : vector<264x5632xf32> to vector<128x5632xf32>
    %exp3A = math.exp %slice3A : vector<8x5632xf32>
    %get3A_14 = arith.constant 0 : index
    %get3A_15 = arith.constant 0 : index
    %get3A_16 = vector.load %arg6[%get3A_14, %get3A_15] : memref<5632x256xf32, #tpu.memory_space<vmem>>, vector<5632x256xf32>
    %dot_general3A_17 = arith.constant dense<0.000000e+00> : vector<8x256xf32>
    %dot_general3A_18 = tpu.matmul %exp3A, %get3A_16, %dot_general3A_17 {dimension_numbers = #tpu.dot_dimension_numbers<[1], [0], [0], [1], [0, 0, 1, 1], [], []>, transpose_lhs_hint = false} : vector<8x5632xf32>, vector<5632x256xf32>, vector<8x256xf32> -> vector<8x256xf32>
    %div3A = arith.constant 1.000000e+00 : f32
    %div3A_19 = vector.broadcast %div3A : f32 to vector<8x256xf32>
    %div3A_20 = arith.divf %div3A_19, %dot_general3A_18 : vector<8x256xf32>
    %get3A_21 = arith.constant 0 : index
    %get3A_22 = arith.constant 0 : index
    %get3A_23 = vector.load %arg7[%get3A_21, %get3A_22] : memref<256x5632xf32, #tpu.memory_space<vmem>>, vector<256x5632xf32>
    %dot_general3A_24 = arith.constant dense<0.000000e+00> : vector<8x5632xf32>
    %dot_general3A_25 = tpu.matmul %div3A_20, %get3A_23, %dot_general3A_24 {dimension_numbers = #tpu.dot_dimension_numbers<[1], [0], [0], [1], [0, 0, 1, 1], [], []>, transpose_lhs_hint = false} : vector<8x256xf32>, vector<256x5632xf32>, vector<8x5632xf32> -> vector<8x5632xf32>
    %mul3A = arith.mulf %exp3A, %dot_general3A_25 : vector<8x5632xf32>
    %get3A_26 = arith.constant 0 : index
    %get3A_27 = arith.constant 0 : index
    %get3A_28 = vector.load %arg8[%get3A_26, %get3A_27] : memref<128x8xf32, #tpu.memory_space<vmem>>, vector<128x8xf32>
    %dot_general3A_29 = arith.constant dense<0.000000e+00> : vector<128x5632xf32>
    %dot_general3A_30 = tpu.matmul %get3A_28, %mul3A, %dot_general3A_29 {dimension_numbers = #tpu.dot_dimension_numbers<[1], [0], [0], [1], [0, 0, 1, 1], [], []>, transpose_lhs_hint = false} : vector<128x8xf32>, vector<8x5632xf32>, vector<128x5632xf32> -> vector<128x5632xf32>
    %mul3A_31 = arith.mulf %slice3A_12, %dot_general3A_30 : vector<128x5632xf32>
    %get3A_32 = arith.constant 0 : index
    %get3A_33 = arith.constant 0 : index
    %get3A_34 = vector.load %arg6[%get3A_32, %get3A_33] : memref<5632x256xf32, #tpu.memory_space<vmem>>, vector<5632x256xf32>
    %dot_general3A_35 = arith.constant dense<0.000000e+00> : vector<128x256xf32>
    %dot_general3A_36 = tpu.matmul %mul3A_31, %get3A_34, %dot_general3A_35 {dimension_numbers = #tpu.dot_dimension_numbers<[1], [0], [0], [1], [0, 0, 1, 1], [], []>, transpose_lhs_hint = false} : vector<128x5632xf32>, vector<5632x256xf32>, vector<128x256xf32> -> vector<128x256xf32>
    %get3A_37 = arith.constant 0 : index
    %get3A_38 = arith.constant 0 : index
    %get3A_39 = vector.load %arg7[%get3A_37, %get3A_38] : memref<256x5632xf32, #tpu.memory_space<vmem>>, vector<256x5632xf32>
    %dot_general3A_40 = arith.constant dense<0.000000e+00> : vector<128x5632xf32>
    %dot_general3A_41 = tpu.matmul %dot_general3A_36, %get3A_39, %dot_general3A_40 {dimension_numbers = #tpu.dot_dimension_numbers<[1], [0], [0], [1], [0, 0, 1, 1], [], []>, transpose_lhs_hint = false} : vector<128x256xf32>, vector<256x5632xf32>, vector<128x5632xf32> -> vector<128x5632xf32>
    %max3A = arith.constant 0.000000e+00 : f32
    %max3A_42 = vector.broadcast %max3A : f32 to vector<128x5632xf32>
    %max3A_43 = arith.maximumf %slice3A_13, %max3A_42 : vector<128x5632xf32>
    %mul3A_44 = arith.mulf %max3A_43, %dot_general3A_41 : vector<128x5632xf32>
    %broadcast_in_dim3A = arith.constant 0.000000e+00 : f32
    %broadcast_in_dim3A_45 = vector.broadcast %broadcast_in_dim3A : f32 to vector<128x128xf32>
    %concatenate3A = tpu.concatenate %broadcast_in_dim3A_45, %mul3A_44, %broadcast_in_dim3A_45 in 1 : vector<128x128xf32>, vector<128x5632xf32>, vector<128x128xf32> -> vector<128x5888xf32>
    %slice3A_46 = vector.extract_strided_slice %concatenate3A {offsets = [0, 127], sizes = [128, 5632], strides = [1, 1]} : vector<128x5888xf32> to vector<128x5632xf32>
    %get3A_47 = arith.constant 0 : index
    %get3A_48 = arith.constant 0 : index
    %get3A_49 = vector.load %arg9[%get3A_47, %get3A_48] : memref<1x5632xf32, #tpu.memory_space<vmem>>, vector<1x5632xf32>
    %mul3A_50 = vector.broadcast %get3A_49 : vector<1x5632xf32> to vector<128x5632xf32>
    %mul3A_51 = arith.mulf %slice3A_46, %mul3A_50 : vector<128x5632xf32>
    %slice3A_52 = vector.extract_strided_slice %concatenate3A {offsets = [0, 129], sizes = [128, 5632], strides = [1, 1]} : vector<128x5888xf32> to vector<128x5632xf32>
    %get3A_53 = arith.constant 0 : index
    %get3A_54 = arith.constant 0 : index
    %get3A_55 = vector.load %arg10[%get3A_53, %get3A_54] : memref<1x5632xf32, #tpu.memory_space<vmem>>, vector<1x5632xf32>
    %mul3A_56 = vector.broadcast %get3A_55 : vector<1x5632xf32> to vector<128x5632xf32>
    %mul3A_57 = arith.mulf %slice3A_52, %mul3A_56 : vector<128x5632xf32>
    %get3A_58 = arith.constant 0 : index
    %get3A_59 = arith.constant 0 : index
    %get3A_60 = arith.constant 0 : index
    %get3A_61 = vector.load %arg4[%get3A_58, %get3A_59, %get3A_60] : memref<9x128x128xf32, #tpu.memory_space<vmem>>, vector<1x128x128xf32>
    %get3A_62 = vector.shape_cast %get3A_61 : vector<1x128x128xf32> to vector<128x128xf32>
    %dot_general3A_63 = arith.constant dense<0.000000e+00> : vector<128x5632xf32>
    %dot_general3A_64 = tpu.matmul %get3A_62, %mul3A_51, %dot_general3A_63 {dimension_numbers = #tpu.dot_dimension_numbers<[1], [0], [0], [1], [0, 0, 1, 1], [], []>, transpose_lhs_hint = false} : vector<128x128xf32>, vector<128x5632xf32>, vector<128x5632xf32> -> vector<128x5632xf32>
    %get3A_65 = arith.constant 1 : index
    %get3A_66 = arith.constant 0 : index
    %get3A_67 = arith.constant 0 : index
    %get3A_68 = vector.load %arg4[%get3A_65, %get3A_66, %get3A_67] : memref<9x128x128xf32, #tpu.memory_space<vmem>>, vector<1x128x128xf32>
    %get3A_69 = vector.shape_cast %get3A_68 : vector<1x128x128xf32> to vector<128x128xf32>
    %dot_general3A_70 = arith.constant dense<0.000000e+00> : vector<128x5632xf32>
    %dot_general3A_71 = tpu.matmul %get3A_69, %mul3A_44, %dot_general3A_70 {dimension_numbers = #tpu.dot_dimension_numbers<[1], [0], [0], [1], [0, 0, 1, 1], [], []>, transpose_lhs_hint = false} : vector<128x128xf32>, vector<128x5632xf32>, vector<128x5632xf32> -> vector<128x5632xf32>
    %add3A_72 = arith.addf %dot_general3A_64, %dot_general3A_71 : vector<128x5632xf32>
    %get3A_73 = arith.constant 2 : index
    %get3A_74 = arith.constant 0 : index
    %get3A_75 = arith.constant 0 : index
    %get3A_76 = vector.load %arg4[%get3A_73, %get3A_74, %get3A_75] : memref<9x128x128xf32, #tpu.memory_space<vmem>>, vector<1x128x128xf32>
    %get3A_77 = vector.shape_cast %get3A_76 : vector<1x128x128xf32> to vector<128x128xf32>
    %dot_general3A_78 = arith.constant dense<0.000000e+00> : vector<128x5632xf32>
    %dot_general3A_79 = tpu.matmul %get3A_77, %mul3A_57, %dot_general3A_78 {dimension_numbers = #tpu.dot_dimension_numbers<[1], [0], [0], [1], [0, 0, 1, 1], [], []>, transpose_lhs_hint = false} : vector<128x128xf32>, vector<128x5632xf32>, vector<128x5632xf32> -> vector<128x5632xf32>
    %add3A_80 = arith.addf %add3A_72, %dot_general3A_79 : vector<128x5632xf32>
    %get3A_81 = arith.constant 3 : index
    %get3A_82 = arith.constant 0 : index
    %get3A_83 = arith.constant 0 : index
    %get3A_84 = vector.load %arg4[%get3A_81, %get3A_82, %get3A_83] : memref<9x128x128xf32, #tpu.memory_space<vmem>>, vector<1x128x128xf32>
    %get3A_85 = vector.shape_cast %get3A_84 : vector<1x128x128xf32> to vector<128x128xf32>
    %dot_general3A_86 = arith.constant dense<0.000000e+00> : vector<128x5632xf32>
    %dot_general3A_87 = tpu.matmul %get3A_85, %mul3A_51, %dot_general3A_86 {dimension_numbers = #tpu.dot_dimension_numbers<[1], [0], [0], [1], [0, 0, 1, 1], [], []>, transpose_lhs_hint = false} : vector<128x128xf32>, vector<128x5632xf32>, vector<128x5632xf32> -> vector<128x5632xf32>
    %get3A_88 = arith.constant 4 : index
    %get3A_89 = arith.constant 0 : index
    %get3A_90 = arith.constant 0 : index
    %get3A_91 = vector.load %arg4[%get3A_88, %get3A_89, %get3A_90] : memref<9x128x128xf32, #tpu.memory_space<vmem>>, vector<1x128x128xf32>
    %get3A_92 = vector.shape_cast %get3A_91 : vector<1x128x128xf32> to vector<128x128xf32>
    %dot_general3A_93 = arith.constant dense<0.000000e+00> : vector<128x5632xf32>
    %dot_general3A_94 = tpu.matmul %get3A_92, %mul3A_44, %dot_general3A_93 {dimension_numbers = #tpu.dot_dimension_numbers<[1], [0], [0], [1], [0, 0, 1, 1], [], []>, transpose_lhs_hint = false} : vector<128x128xf32>, vector<128x5632xf32>, vector<128x5632xf32> -> vector<128x5632xf32>
    %add3A_95 = arith.addf %dot_general3A_87, %dot_general3A_94 : vector<128x5632xf32>
    %get3A_96 = arith.constant 5 : index
    %get3A_97 = arith.constant 0 : index
    %get3A_98 = arith.constant 0 : index
    %get3A_99 = vector.load %arg4[%get3A_96, %get3A_97, %get3A_98] : memref<9x128x128xf32, #tpu.memory_space<vmem>>, vector<1x128x128xf32>
    %get3A_100 = vector.shape_cast %get3A_99 : vector<1x128x128xf32> to vector<128x128xf32>
    %dot_general3A_101 = arith.constant dense<0.000000e+00> : vector<128x5632xf32>
    %dot_general3A_102 = tpu.matmul %get3A_100, %mul3A_57, %dot_general3A_101 {dimension_numbers = #tpu.dot_dimension_numbers<[1], [0], [0], [1], [0, 0, 1, 1], [], []>, transpose_lhs_hint = false} : vector<128x128xf32>, vector<128x5632xf32>, vector<128x5632xf32> -> vector<128x5632xf32>
    %add3A_103 = arith.addf %add3A_95, %dot_general3A_102 : vector<128x5632xf32>
    %get3A_104 = arith.constant 6 : index
    %get3A_105 = arith.constant 0 : index
    %get3A_106 = arith.constant 0 : index
    %get3A_107 = vector.load %arg4[%get3A_104, %get3A_105, %get3A_106] : memref<9x128x128xf32, #tpu.memory_space<vmem>>, vector<1x128x128xf32>
    %get3A_108 = vector.shape_cast %get3A_107 : vector<1x128x128xf32> to vector<128x128xf32>
    %dot_general3A_109 = arith.constant dense<0.000000e+00> : vector<128x5632xf32>
    %dot_general3A_110 = tpu.matmul %get3A_108, %mul3A_51, %dot_general3A_109 {dimension_numbers = #tpu.dot_dimension_numbers<[1], [0], [0], [1], [0, 0, 1, 1], [], []>, transpose_lhs_hint = false} : vector<128x128xf32>, vector<128x5632xf32>, vector<128x5632xf32> -> vector<128x5632xf32>
    %get3A_111 = arith.constant 7 : index
    %get3A_112 = arith.constant 0 : index
    %get3A_113 = arith.constant 0 : index
    %get3A_114 = vector.load %arg4[%get3A_111, %get3A_112, %get3A_113] : memref<9x128x128xf32, #tpu.memory_space<vmem>>, vector<1x128x128xf32>
    %get3A_115 = vector.shape_cast %get3A_114 : vector<1x128x128xf32> to vector<128x128xf32>
    %dot_general3A_116 = arith.constant dense<0.000000e+00> : vector<128x5632xf32>
    %dot_general3A_117 = tpu.matmul %get3A_115, %mul3A_44, %dot_general3A_116 {dimension_numbers = #tpu.dot_dimension_numbers<[1], [0], [0], [1], [0, 0, 1, 1], [], []>, transpose_lhs_hint = false} : vector<128x128xf32>, vector<128x5632xf32>, vector<128x5632xf32> -> vector<128x5632xf32>
    %add3A_118 = arith.addf %dot_general3A_110, %dot_general3A_117 : vector<128x5632xf32>
    %get3A_119 = arith.constant 8 : index
    %get3A_120 = arith.constant 0 : index
    %get3A_121 = arith.constant 0 : index
    %get3A_122 = vector.load %arg4[%get3A_119, %get3A_120, %get3A_121] : memref<9x128x128xf32, #tpu.memory_space<vmem>>, vector<1x128x128xf32>
    %get3A_123 = vector.shape_cast %get3A_122 : vector<1x128x128xf32> to vector<128x128xf32>
    %dot_general3A_124 = arith.constant dense<0.000000e+00> : vector<128x5632xf32>
    %dot_general3A_125 = tpu.matmul %get3A_123, %mul3A_57, %dot_general3A_124 {dimension_numbers = #tpu.dot_dimension_numbers<[1], [0], [0], [1], [0, 0, 1, 1], [], []>, transpose_lhs_hint = false} : vector<128x128xf32>, vector<128x5632xf32>, vector<128x5632xf32> -> vector<128x5632xf32>
    %add3A_126 = arith.addf %add3A_118, %dot_general3A_125 : vector<128x5632xf32>
    %concatenate3A_127 = tpu.concatenate %broadcast_in_dim3A_45, %add3A_80 in 1 : vector<128x128xf32>, vector<128x5632xf32> -> vector<128x5760xf32>
    %slice3A_128 = vector.extract_strided_slice %concatenate3A_127 {offsets = [0, 106], sizes = [128, 5632], strides = [1, 1]} : vector<128x5760xf32> to vector<128x5632xf32>
    %concatenate3A_129 = tpu.concatenate %add3A_126, %broadcast_in_dim3A_45 in 1 : vector<128x5632xf32>, vector<128x128xf32> -> vector<128x5760xf32>
    %slice3A_130 = vector.extract_strided_slice %concatenate3A_129 {offsets = [0, 22], sizes = [128, 5632], strides = [1, 1]} : vector<128x5760xf32> to vector<128x5632xf32>
    %add3A_131 = arith.addf %add3A_103, %slice3A_128 : vector<128x5632xf32>
    %add3A_132 = arith.addf %add3A_131, %slice3A_130 : vector<128x5632xf32>
    %get3A_133 = arith.constant 0 : index
    %get3A_134 = arith.constant 0 : index
    %get3A_135 = vector.load %arg5[%get3A_133, %get3A_134] : memref<128x1xf32, #tpu.memory_space<vmem>>, vector<128x1xf32>
    %add3A_136 = vector.broadcast %get3A_135 : vector<128x1xf32> to vector<128x5632xf32>
    %add3A_137 = arith.addf %add3A_132, %add3A_136 : vector<128x5632xf32>
    %max3A_138 = arith.constant 0.000000e+00 : f32
    %max3A_139 = vector.broadcast %max3A_138 : f32 to vector<128x5632xf32>
    %max3A_140 = arith.maximumf %add3A_137, %max3A_139 : vector<128x5632xf32>
    %swap3A = arith.constant 0 : index
    %swap3A_141 = arith.constant 0 : index
    %swap3A_142 = arith.constant 0 : index
    %swap3A_143 = vector.load %arg11[%swap3A, %swap3A_141, %swap3A_142] : memref<1x128x5632xf32, #tpu.memory_space<vmem>>, vector<1x128x5632xf32>
    %swap3A_144 = vector.shape_cast %swap3A_143 : vector<1x128x5632xf32> to vector<128x5632xf32>
    %swap3A_145 = vector.shape_cast %max3A_140 : vector<128x5632xf32> to vector<1x128x5632xf32>
    tpu.vector_store %arg11[%swap3A, %swap3A_141, %swap3A_142], %swap3A_145 {strides = array<i32>} : memref<1x128x5632xf32, #tpu.memory_space<vmem>>, vector<1x128x5632xf32>,
    return
  }
  func.func @transform_0(%arg0: i32) -> (i32, i32, i32) {
    %c0_i32 = arith.constant 0 : i32
    %c0_i32_0 = arith.constant 0 : i32
    %c0_i32_1 = arith.constant 0 : i32
    return %arg0, %c0_i32, %c0_i32_0 : i32, i32, i32
  }
  func.func @transform_1(%arg0: i32) -> (i32, i32) {
    %c0_i32 = arith.constant 0 : i32
    %c0_i32_0 = arith.constant 0 : i32
    %c0_i32_1 = arith.constant 0 : i32
    return %c0_i32, %c0_i32_0 : i32, i32
  }
  func.func @transform_2(%arg0: i32) -> (i32, i32) {
    %c0_i32 = arith.constant 0 : i32
    %c0_i32_0 = arith.constant 0 : i32
    %c0_i32_1 = arith.constant 0 : i32
    return %c0_i32, %c0_i32_0 : i32, i32
  }
  func.func @transform_3(%arg0: i32) -> (i32, i32, i32) {
    %c0_i32 = arith.constant 0 : i32
    %c0_i32_0 = arith.constant 0 : i32
    %c0_i32_1 = arith.constant 0 : i32
    %c0_i32_2 = arith.constant 0 : i32
    return %c0_i32, %c0_i32_0, %c0_i32_1 : i32, i32, i32
  }
  func.func @transform_4(%arg0: i32) -> (i32, i32) {
    %c0_i32 = arith.constant 0 : i32
    %c0_i32_0 = arith.constant 0 : i32
    %c0_i32_1 = arith.constant 0 : i32
    return %c0_i32, %c0_i32_0 : i32, i32
  }
  func.func @transform_5(%arg0: i32) -> (i32, i32) {
    %c0_i32 = arith.constant 0 : i32
    %c0_i32_0 = arith.constant 0 : i32
    %c0_i32_1 = arith.constant 0 : i32
    return %c0_i32, %c0_i32_0 : i32, i32
  }
  func.func @transform_6(%arg0: i32) -> (i32, i32) {
    %c0_i32 = arith.constant 0 : i32
    %c0_i32_0 = arith.constant 0 : i32
    %c0_i32_1 = arith.constant 0 : i32
    return %c0_i32, %c0_i32_0 : i32, i32
  }
  func.func @transform_7(%arg0: i32) -> (i32, i32) {
    %c0_i32 = arith.constant 0 : i32
    %c0_i32_0 = arith.constant 0 : i32
    %c0_i32_1 = arith.constant 0 : i32
    return %c0_i32, %c0_i32_0 : i32, i32
  }
  func.func @transform_8(%arg0: i32) -> (i32, i32) {
    %c0_i32 = arith.constant 0 : i32
    %c0_i32_0 = arith.constant 0 : i32
    %c0_i32_1 = arith.constant 0 : i32
    return %c0_i32, %c0_i32_0 : i32, i32
  }
  func.func @transform_9(%arg0: i32) -> (i32, i32) {
    %c0_i32 = arith.constant 0 : i32
    %c0_i32_0 = arith.constant 0 : i32
    %c0_i32_1 = arith.constant 0 : i32
    return %c0_i32, %c0_i32_0 : i32, i32
  }
  func.func @transform_10(%arg0: i32) -> (i32, i32, i32) {
    %c0_i32 = arith.constant 0 : i32
    %c0_i32_0 = arith.constant 0 : i32
    %c0_i32_1 = arith.constant 0 : i32
    return %arg0, %c0_i32, %c0_i32_0 : i32, i32, i32
  }
}

</mosaic_0001>

<sc_bundles>
// kernel: sparse-core-data-format-call.cloned.1.call-start
scs
called_computation_lowered:
.L_overlay_start_0:
0x0: {  	s2 =	sld [smem:$0x3FD9]  }
0x1: {  	s3 =	sld [smem:$0x3FFE];
	_ =	sdelay $0x1  }
0x2: {  	s1 =	srdreg.scid  }
0x3: {  	s0 =	sand.u32 $0x1, s1  }
0x4: {  	s18 =	sshll.u32 s0, $0xA;
	s2 =	sadd.s32 s3, s2  }
0x5: {  	s2 =	sadd.s32 s2, s18  }
0x6: {  	[smem:$0x3FBF] =	sst s2  }
0x7: {  	_ = 	snop  }
0x8: {  	s2 =	sld [smem:$0x3FD0];
	(tm) =	ssettm $0x1  }
0x9: {  	s19 =	sld [smem:$0x3FFB];
	_ =	sdelay $0x3  }
0xa: {  	_ =	strace s19  }
0xb: {  	s3 =	sld [smem:$0x3FFC];
	_ =	sdelay $0x3  }
0xc: {  	_ =	strace s3  }
0xd: {  	s3 =	sld [smem:$0x3FFD];
	_ =	sdelay $0x3  }
0xe: {  	_ =	strace s3  }
0xf: {  	_ =	strace $0x8FFFFFFF  }
0x10: {  	s20 =	sld [smem:$0x3FDB];
	_ =	sdelay $0x1  }
0x11: {  	s4 =	simm.s32 $_scs_section_size  }
0x12: {  	s5 =	simm.s32 $_size__tile_overlayer_lowered;
	s6 =	simm.s32 $_tile_overlayer_lowered  }
0x13: {  	s23 =	simm.s32 $0x1BFF;
	s22 =	sshll.u32 s6, $0x1;
	s3 =	sadd.s32 s4, s20  }
0x14: {  	s7 =	simm.s32 $0x0;
	s21 =	sshll.u32 s5, $0x1;
	s5 =	sadd.s32 s22, s3  }
0x15: {  	[timem:s7], [sflag:s23] =	dma.local [hbm:s5], s21  }
0x16: {  	_ =	swait.ge [sflag:s23], s21  }
0x17: {  	s4 =	ssub.s32 $0x0, s21;
	[sflag:s23] =	ssyncset.done $0x0  }
0x18: {  	[sflag:s23] =	ssyncadd.s32 s4;
	_ =	sdelay $0x1  }
0x19: {  	s24 =	simm.s32 $0x1B8B  }
0x1a: {  	_ =	swait.ge [sflag:s24], $0x1  }
0x1b: {  	[sflag:s24] =	ssyncset.done $0x0  }
0x1c: {  	s26 =	simm.s32 $0x1B8E;
	s25 =	sld [smem:$0x3FFE];
	[sflag:s24] =	ssyncadd.s32 $0xFFFFFFFF  }
0x1d: {  	s27 =	simm.s32 $execute0_lowered;
	[smem:$0x3FD2] =	sst s26  }
0x1e: {  	s5 =	sshll.u32 s27, $0x1;
	_ =	strace $0x80000046;
	[dreg:$0x1] =	wrdreg $0xFFFFFFFF  }
0x1f: {  	s28 =	simm.s32 $_size_execute0_lowered;
	s3 =	sadd.s32 s3, s5;
	[dreg:$0x0] =	wrdreg $0x0  }
0x20: {  	s5 =	sshll.u32 s28, $0x1;
	[dreg:$0x2] =	wrdreg s3  }
0x21: {  	[dreg:$0x3] =	wrdreg s5  }
0x22: {  	[dreg:$0x4] =	wrdreg $0xC0  }
0x23: {  	_ =	task [dreg:s7], $0x5FFFF  }
0x24: {  	[dreg:$0x1] =	wrdreg $0xFFFFFFFF  }
0x25: {  	[dreg:$0x0] =	wrdreg $0x60  }
0x26: {  	[dreg:$0x2] =	wrdreg s25  }
0x27: {  	[dreg:$0x3] =	wrdreg s2  }
0x28: {  	[dreg:$0x4] =	wrdreg $0x9  }
0x29: {  	_ =	task.clear_ibuf [dreg:s7], $0x5FFFF;
	_ =	strace $0x90000046  }
0x2a: {  	s29 =	simm.s32 $0x9;
	_ =	strace $0x80000048  }
0x2b: {  	_ =	swait.ge [sflag:s29], $0x1  }
0x2c: {  	[sflag:s29] =	ssyncadd.s32 $0xFFFFFFFF  }
0x2d: {  	_ =	strace $0x90000048  }
0x2e: {  	_ =	sfence  }
0x2f: {  	s30 =	sld [smem:$0x0];
	_ =	sdelay $0x2  }
0x30: {  	s31 =	sshll.u32 s1, $0xD;
	s1 =	sshrl.u32 s1, $0x2  }
0x31: {  	s3 =	sand.u32 $0x4000, s31;
	s1 =	sadd.s32 s1, s30  }
0x32: {  	s0 =	sor.u32 s3, s0;
	s1 =	sshll.u32 s1, $0x11  }
0x33: {  	s0 =	sor.u32 s1, s0  }
0x34: {  	s0 =	sadd.s32 $0x8F2B, s0  }
0x35: {  	[sflag:s0] =	ssyncadd.remote.s32 $0x1  }
0x36: {  	_ =	sfence.sel $0xFFFF  }
0x37: {  	[dreg:$0x0] =	wrdreg $0xFFFFFFFF;
	(pc) =	sbr.abs _section_cstart, $3  }
0x38: {  	[dreg:$0x1] =	wrdreg $0xFFFFFFFF  }
0x39: {  	_ =	task.clear_ibuf [dreg:s7], $0x2FFFF;
	_ =	strace $0x9FFFFFFF  }
0x3a: {  	(tm) =	ssettm $0x7FFFFFFF  }
0x3b: {  	_ =	shalt  }
tec
execute0_lowered:
.L_overlay_start_1:
0x0: {  	(tag) =	ssettag $0x1  }
0x1: {  	s0 =	stileid.u32;
	s7 =	rddreg [dreg:$0x0]  }
0x2: {  	s1 =	srdreg.scid;
	s2 =	rddreg [dreg:$0x1];
	s31 =	simm.s32 $0x2  }
0x3: {  	s15 =	simm.s32 $0x0;
	p0 =	por $0x0, $0x0;
	s14 =	simm.s32 $0x0  }
0x4: {  	s13 =	simm.s32 $0x0;
	s10 =	simm.s32 $0x0;
	s3 =	sshll.u32 s0, $0x7  }
0x5: {  	s12 =	simm.s32 $0x0;
	s4 =	sshll.u32 s1, $0x4;
	s3 =	sand.u32 $0x80, s3  }
0x6: {  	s1 =	rddreg [dreg:$0x2];
	s4 =	sand.u32 $0x10, s4;
	s5 =	ssub.s32 $0x100, s3  }
0x7: {  	_ =	strace $0x80000047;
	s4 =	sor.u32 s0, s4;
	s6 =	sshrl.u32 s5, $0x7  }
.Ltmp0:
0x8: {  	s8 =	sshrl.u32 s5, $0x8;
	s6 =	sand.u32 $0x1, s6;
	(pc) =	sbr.rel .LBB1_1-.Ltmp0, $4  }
0x9: {  	s4 =	sshrl.u32 s4, $0x1;
	s5 =	simm.s32 $0x1;
	s6 =	sadd.s32 s8, s6  }
0xa: {  	s9 =	sshll.u32 s4, $0x4;
	[sflag:s5] =	ssyncpa.u1 $0x0;
	s6 =	smul.u32 $0x16, s6  }
0xb: {  	s11 =	smov.u32 s3;
	s7 =	sadd.s32 s9, s7;
	[sflag:s31] =	ssyncpa.u1 $0x0  }
0xc: {  	s9 =	simm.s32 $0x800;
	s7 =	sadd.s32 $0x2200, s7;
	s8 =	sor.u32 $0x1, s6  }
.LBB1_4:
0xd: {  	v5 =	vld [tilespmem:s19+$0xFFFFFFD0];
	[tilespmem:s18+$0x2040 ss:$0x81] =	vst.msk $0xffff, v1  }
0xe: {  	v58 =	vld [tilespmem:s19+$0xFFFFFFE0];
	[tilespmem:s18+$0x2850 ss:$0x81] =	vst.msk $0xffff, v2  }
0xf: {  	s20 =	sshra.s32 s20, $0x2;
	v59 =	vld [tilespmem:s19+$0xFFFFFFF0];
	[tilespmem:s18+$0x3060 ss:$0x81] =	vst.msk $0xffff, v3  }
0x10: {  	v60 =	vld [tilespmem:s19+$0x0];
	[tilespmem:s18+$0x0 ss:$0x81] =	vst.msk $0xffff, v0;
	s17 =	sadd.s32 s20, s17  }
0x11: {  	v61 =	vld [tilespmem:s19+$0x10];
	[tilespmem:s17+$0x3870 ss:$0x81] =	vst.msk $0xffff, v4  }
0x12: {  	v62 =	vld [tilespmem:s19+$0x20];
	[tilespmem:s17+$0x810 ss:$0x81] =	vst.msk $0xffff, v5  }
0x13: {  	v63 =	vld [tilespmem:s19+$0xFFFFFFC0];
	[tilespmem:s17+$0x1020 ss:$0x81] =	vst.msk $0xffff, v58  }
0x14: {  	s29 =	sand.u32 $0xF80, s13;
	s15 =	smul.u32 $0x16000, s15;
	[tilespmem:s17+$0x1830 ss:$0x81] =	vst.msk $0xffff, v59  }
0x15: {  	s14 =	sshll.u32 s14, $0xC;
	s30 =	sshrl.u32 s13, $0x3;
	s18 =	sadd.s32 s2, s29;
	[tilespmem:s17+$0x2040 ss:$0x81] =	vst.msk $0xffff, v60  }
0x16: {  	s31 =	sand.u32 $0x7, s13;
	s19 =	sand.u32 $0xF, s30;
	s14 =	sadd.s32 s14, s18;
	[tilespmem:s17+$0x2850 ss:$0x81] =	vst.msk $0xffff, v61  }
0x17: {  	s13 =	sshll.u32 s31, $0x12;
	s14 =	sadd.s32 s19, s14;
	[tilespmem:s17+$0x3060 ss:$0x81] =	vst.msk $0xffff, v62  }
0x18: {  	s13 =	sor.u32 $0x400, s13;
	s14 =	sadd.s32 s15, s14;
	[tilespmem:s17+$0x0 ss:$0x81] =	vst.msk $0xffff, v63  }
0x19: {  	[hbm4b:s14+s13] =	stream.strided.scatter [tilespmem:s16], [sflag:$0x2], $0x4000, s9, s13, $0x20;
	[tilespmem:$0x10100] =	vst v63  }
.LBB1_5:
0x1a: {  	s16 =	sadd.s32 $0x1, s10  }
0x1b: {  	s13 =	sadd.s32 $0x100, s11;
	s17 =	smov.u32 s11;
	p2 =	sgt.s32 s16, $0x15  }
0x1c: {  	s17 =	smov.u32 @p2 s13  }
0x1d: {  	s16 =	simm.s32 @p2 $0x0;
	p2 =	sgt.s32 s17, $0xFF  }
0x1e: {  	s17 =	smov.u32 @p2 s3;
	p2 =	sne.s32 s12, s8  }
.Ltmp1:
0x1f: {  	p1 =	slt.u32 s12, $0x2;
	(pc) =	sbr.rel @!p2 .LBB1_6-.Ltmp1, $4  }
0x20: {  	s14 =	smov.u32 s10;
	s15 =	simm.s32 @!p1 $0x2  }
0x21: {  	p0 =	por !p0, !p0;
	_ =	swait.ge @!p1 [sflag:s15], $0x4000;
	s13 =	smov.u32 s11  }
0x22: {  	[sflag:s15] =	ssyncset.done @!p1 $0x0;
	s10 =	smov.u32 s16;
	s12 =	sadd.s32 $0x1, s12  }
0x23: {  	[sflag:s15] =	ssyncadd.s32 @!p1 $0xFFFFC000;
	s15 =	smov.u32 s4;
	s11 =	smov.u32 s17  }
.LBB1_1:
0x24: {  	p1 =	sge.u32 s12, s6  }
0x25: {  	s17 =	smul.u32 @!p1 $0x1600, s11  }
0x26: {  	s31 =	sadd.s32 $0xFFFFFFFF, s12;
	s16 =	sxor.u32 @!p1 $0xFFFFFFFF, s12;
	s18 =	sshll.u32 @!p1 s10, $0x8  }
0x27: {  	s19 =	simm.s32 @!p1 $0xB000;
	s16 =	sshll.u32 @!p1 s16, $0xE;
	s17 =	sadd.s32 @!p1 s17, s7  }
0x28: {  	s16 =	sand.u32 @!p1 $0x4000, s16;
	s17 =	sadd.s32 @!p1 s18, s17;
	s18 =	simm.s32 @!p1 $0x80  }
0x29: {  	[tilespmem:s16], [sflag:$0x1] =	stream.strided.gather @!p1 [hbm4b:s17+s18], $0x4000, s19, s18, $0x38;
	[tilespmem:$0x10100] =	vst v63  }
0x2a: {  	p1 =	sge.u32 s31, s6  }
.Ltmp2:
0x2b: {  	_ = 	snop;
	(pc) =	sbr.rel @p1 .LBB1_5-.Ltmp2, $1  }
0x2c: {  	_ =	sdelay $0x3  }
0x2d: {  	s16 =	simm.s32 $0x1  }
0x2e: {  	_ =	swait.ge [sflag:s5], $0x4000;
	s16 =	simm.s32 @!p0 $0x0  }
0x2f: {  	[sflag:s5] =	ssyncset.done $0x0;
	s17 =	sshll.u32 s16, $0xE  }
0x30: {  	[sflag:s5] =	ssyncadd.s32 $0xFFFFC000;
	s19 =	sor.u32 $0x40, s17  }
0x31: {  	s16 =	smul.u32 $0x10200, s16;
	v0 =	vld [tilespmem:s19+$0x30]  }
0x32: {  	v3 =	vld [tilespmem:s19+$0xFFFFFFD0]  }
0x33: {  	s16 =	sshrl.u32 s16, $0x2;
	v4 =	vld [tilespmem:s19+$0xFFFFFFE0]  }
0x34: {  	v5 =	vld [tilespmem:s19+$0xFFFFFFF0];
	s17 =	sor.u32 $0x8000, s16  }
0x35: {  	s31 =	sand.u32 $0x1, s12;
	v1 =	vld [tilespmem:s19+$0x0];
	s18 =	sadd.s32 $0x0, s17  }
0x36: {  	v2 =	vld [tilespmem:s19+$0x10];
	s16 =	smul.u32 $0x10200, s31;
	[tilespmem:s18+$0x3870 ss:$0x81] =	vst.msk $0xffff, v0  }
0x37: {  	[tilespmem:s18+$0x810 ss:$0x81] =	vst.msk $0xffff, v3;
	v3 =	vld [tilespmem:s19+$0x20]  }
0x38: {  	s16 =	sshrl.u32 s16, $0x2;
	v0 =	vld [tilespmem:s19+$0xFFFFFFC0];
	[tilespmem:s18+$0x1020 ss:$0x81] =	vst.msk $0xffff, v4;
	s19 =	sadd.s32 $0x80, s19  }
0x39: {  	s20 =	simm.s32 $0x4;
	s21 =	simm.s32 $0x8;
	s16 =	sor.u32 $0x8000, s16;
	[tilespmem:s18+$0x1830 ss:$0x81] =	vst.msk $0xffff, v5;
	v4 =	vld [tilespmem:s19+$0x30]  }
.LBB1_3:
0x3a: {  	p1 =	sne.s32 s21, $0x1FC;
	v5 =	vld [tilespmem:s19+$0xFFFFFFD0];
	[tilespmem:s18+$0x2040 ss:$0x81] =	vst.msk $0xffff, v1  }
0x3b: {  	v6 =	vld [tilespmem:s19+$0xFFFFFFE0];
	[tilespmem:s18+$0x2850 ss:$0x81] =	vst.msk $0xffff, v2  }
0x3c: {  	s22 =	sshra.s32 s20, $0x2;
	s20 =	smov.u32 s21;
	v7 =	vld [tilespmem:s19+$0xFFFFFFF0];
	[tilespmem:s18+$0x3060 ss:$0x81] =	vst.msk $0xffff, v3  }
.Ltmp3:
0x3d: {  	v1 =	vld [tilespmem:s19+$0x0];
	[tilespmem:s18+$0x0 ss:$0x81] =	vst.msk $0xffff, v0;
	s18 =	sadd.s32 s22, s17;
	(pc) =	sbr.rel @p1 .LBB1_3-.Ltmp3, $4  }
0x3e: {  	v2 =	vld [tilespmem:s19+$0x10];
	[tilespmem:s18+$0x3870 ss:$0x81] =	vst.msk $0xffff, v4  }
0x3f: {  	[tilespmem:s18+$0x810 ss:$0x81] =	vst.msk $0xffff, v5;
	v3 =	vld [tilespmem:s19+$0x20]  }
0x40: {  	v0 =	vld [tilespmem:s19+$0xFFFFFFC0];
	[tilespmem:s18+$0x1020 ss:$0x81] =	vst.msk $0xffff, v6;
	s19 =	sadd.s32 $0x80, s19  }
0x41: {  	s21 =	sadd.s32 $0x4, s21;
	v4 =	vld [tilespmem:s19+$0x30];
	[tilespmem:s18+$0x1830 ss:$0x81] =	vst.msk $0xffff, v7  }
.Ltmp4:
0x42: {  	_ = 	snop;
	(pc) =	sbr.rel .LBB1_4-.Ltmp4, $1  }
0x43: {  	_ =	sdelay $0x3  }
.LBB1_6:
0x44: {  	_ =	sfence.sel $0x180000  }
0x45: {  	s2 =	simm.s32 $0x1;
	[bflag:$0x0] =	sbarrier.arrive $0xFFFF  }
0x46: {  	s31 =	simm.s32 $0x2;
	[sflag:s2] =	ssyncpa.u1 $0x1  }
0x47: {  	[sflag:s31] =	ssyncpa.u1 $0x1  }
0x48: {  	p0 =	sne.s32 s0, $0x0;
	_ =	strace $0x90000047  }
0x49: {  	s0 =	sadd.s32 @!p0 $0x100000, s1;
	[bflag:$0x2] =	sbarrier.arrive $0xFFFF  }
0x4a: {  	[sflag:s0] =	ssyncadd.tile.s32 @!p0 $0x1;
	_ =	shalt  }
.Lfunc_end1:
_tile_overlayer_lowered:
.L_overlay_start_2:
0x4b: {  	(tag) =	ssettag $0x2  }
0x4c: {  	s0 =	rddreg [dreg:$0x0];
	s2 =	stileid.u32  }
0x4d: {  	s1 =	rddreg [dreg:$0x1];
	p0 =	sne.s32 s2, $0x0  }
0x4e: {  	s3 =	rddreg [dreg:$0x2];
	[bflag:$0x3] =	sbarrier.arrive $0xFFFF;
	s2 =	simm.s32 @!p0 $0x1C01  }
0x4f: {  	[timem:s3], [sflag:s2] =	dma.local @!p0 [hbm:s0], s1  }
0x50: {  	s0 =	simm.s32 @!p0 $0x1  }
0x51: {  	_ =	swait.ge @!p0 [sflag:s0], s1  }
0x52: {  	s1 =	ssub.s32 @!p0 $0x0, s1;
	[sflag:s0] =	ssyncset.done @!p0 $0x0  }
0x53: {  	[sflag:s0] =	ssyncadd.s32 @!p0 s1  }
0x54: {  	[bflag:$0x3] =	sbarrier.arrive $0xFFFF  }
0x55: {  	_ =	shalt  }

</sc_bundles>
